<compile_context>
chip_gen: v7x
topology: tpu7x:2x2x1
jax: 0.10.2.dev20260603
libtpu: 0.0.44.dev20260713+nightly
codegen_flags: <defaults>
</compile_context>

<pallas_src>
import functools

import jax
import jax.numpy as jnp
from jax import lax
from jax.experimental import pallas as pl
from jax.experimental.pallas import tpu as pltpu
from jax.experimental.pallas import tpu_sc as plsc

B = 1024
V = 100000
L = 50

NC = 2
NS = 16
NW = NC * NS
PER_W = B * L // NW
CHUNK = 128

_CHUNKS = []
_off = 0
while _off < PER_W:
    _c = min(CHUNK, PER_W - _off)
    _CHUNKS.append((_off, _c))
    _off += _c

_H1 = 768
_H2 = PER_W - _H1

_mesh = plsc.VectorSubcoreMesh(core_axis_name="c", subcore_axis_name="s")


@functools.partial(
    pl.kernel,
    out_type=jax.ShapeDtypeStruct((B * L,), jnp.float32),
    mesh=_mesh,
    scratch_types=[
        pltpu.VMEM((PER_W,), jnp.int32),
        pltpu.VMEM((PER_W,), jnp.float32),
        pltpu.SemaphoreType.DMA,
        pltpu.SemaphoreType.DMA,
        pltpu.SemaphoreType.DMA,
    ],
)
def _pg_gather(idx_hbm, pred_hbm, out_hbm, idx_v, val_v, sem_in, sem_g, sem_o):
    wid = lax.axis_index("s") * NC + lax.axis_index("c")
    base = wid * PER_W
    cp1 = pltpu.async_copy(idx_hbm.at[pl.ds(base, _H1)],
                           idx_v.at[pl.ds(0, _H1)], sem_in)
    cp2 = pltpu.async_copy(idx_hbm.at[pl.ds(base + _H1, _H2)],
                           idx_v.at[pl.ds(_H1, _H2)], sem_in)
    cp1.wait()
    g_cps = [
        pltpu.async_copy(pred_hbm.at[idx_v.at[pl.ds(o, c)]],
                         val_v.at[pl.ds(o, c)], sem_g)
        for o, c in _CHUNKS if o < _H1
    ]
    cp2.wait()
    g_cps += [
        pltpu.async_copy(pred_hbm.at[idx_v.at[pl.ds(o, c)]],
                         val_v.at[pl.ds(o, c)], sem_g)
        for o, c in _CHUNKS if o >= _H1
    ]
    for cp in g_cps[:6]:
        cp.wait()
    o1 = pltpu.async_copy(val_v.at[pl.ds(0, _H1)],
                          out_hbm.at[pl.ds(base, _H1)], sem_o)
    for cp in g_cps[6:]:
        cp.wait()
    o2 = pltpu.async_copy(val_v.at[pl.ds(_H1, _H2)],
                          out_hbm.at[pl.ds(base + _H1, _H2)], sem_o)
    o1.wait()
    o2.wait()


def kernel(pred, target, reward):
    t = target.astype(jnp.int32)
    i = jnp.arange(B, dtype=jnp.int32)[:, None]
    n = ((t >> 3) << 13) + ((i >> 7) << 10) + ((t & 7) << 7) + (i & 127)
    pred_lin = pred.reshape(8, 128, V // 8, 8).transpose(2, 0, 3, 1).reshape(-1)
    val = _pg_gather(n.reshape(-1), pred_lin)
    return jnp.sum(val * reward.reshape(-1)) * jnp.float32(-1.0 / B)

# --- scband reference (transcript-rebuilt; emitter-appended) ---
"""Pipeline reference for scband-pgloss-11991548690975 (READ-ONLY COPY).

The authoritative reference and input builder live on the scoring server;
editing this copy changes nothing except your own understanding.
"""

import jax, jax.numpy as jnp
import numpy as np

BATCH = 1024
VOCAB = 100000
SEQ_LEN = 50

def setup_inputs(seed: int = 0) -> dict:
    key = jax.random.key(seed)
    k1, k2, k3 = jax.random.split(key, 3)
    pred = jax.random.normal(k1, (BATCH, VOCAB), dtype=jnp.float32)
    target = jax.random.randint(k2, (BATCH, SEQ_LEN), 0, VOCAB, dtype=jnp.int64)
    reward = jax.random.normal(k3, (BATCH, SEQ_LEN), dtype=jnp.float32)
    return {"pred": pred, "target": target, "reward": reward}

def reference(pred, target, reward):
    # Faithful to the double python loop:
    # loss = sum_i sum_j -pred[i, target[i, j]] * reward[i, j], then / batch_size
    gathered = jnp.take_along_axis(pred, target, axis=1)  # (B, L)
    loss = -(gathered * reward).sum()
    return loss / BATCH

if __name__ == "__main__":
    import jax
    _d = setup_inputs()
    print(jax.jit(kernel)(*tuple(_d.values())))

</pallas_src>

<mosaic_0001>
#map = affine_map<(d0, d1) -> (0)>
module attributes {stable_mosaic.version = 14 : i64} {
  func.func @_pg_gather(%arg0: i32, %arg1: i32, %arg2: memref<51200xi32, #tpu.memory_space<hbm>>, %arg3: memref<102400000xf32, #tpu.memory_space<hbm>>, %arg4: memref<51200xf32, #tpu.memory_space<hbm>>, %arg5: memref<1600xi32, #tpu.memory_space<vmem>>, %arg6: memref<1600xf32, #tpu.memory_space<vmem>>, %arg7: memref<!tpu.dma_semaphore, #tpu.memory_space<semaphore_mem>>, %arg8: memref<!tpu.dma_semaphore, #tpu.memory_space<semaphore_mem>>, %arg9: memref<!tpu.dma_semaphore, #tpu.memory_space<semaphore_mem>>) attributes {dimension_semantics = [#tpu.dimension_semantics<core_parallel>, #tpu.dimension_semantics<subcore_parallel>], iteration_bounds = array<i64: 2, 16>, scalar_prefetch = 0 : i64, scratch_operands = 5 : i64, tpu.core_type = #tpu.core_type<sc_vector_subcore>, window_params = [{transform_indices = #map}, {transform_indices = #map}, {transform_indices = #map}]} {
    %mul3A = arith.constant 2 : i32
    %mul3A_0 = arith.muli %arg1, %mul3A : i32
    %add3A = arith.addi %mul3A_0, %arg0 : i32
    %mul3A_1 = arith.constant 1600 : i32
    %mul3A_2 = arith.muli %add3A, %mul3A_1 : i32
    %dma_start3A = arith.constant 0 : i32
    %dma_start3A_3 = tpu.memref_slice %arg5[%dma_start3A] : memref<1600xi32, #tpu.memory_space<vmem>> -> memref<768xi32, #tpu.memory_space<vmem>>
    %dma_start3A_4 = tpu.memref_slice %arg2[%mul3A_2] : memref<51200xi32, #tpu.memory_space<hbm>> -> memref<768xi32, #tpu.memory_space<hbm>>
    %dma_start3A_5 = arith.constant 0 : i32
    %dma_start3A_6 = tpu.memref_slice %arg5[%dma_start3A_5] : memref<1600xi32, #tpu.memory_space<vmem>> -> memref<768xi32, #tpu.memory_space<vmem>>
    %dma_start3A_7 = tpu.memref_slice %arg2[%mul3A_2] : memref<51200xi32, #tpu.memory_space<hbm>> -> memref<768xi32, #tpu.memory_space<hbm>>
    tpu.enqueue_dma source(%dma_start3A_7 : memref<768xi32, #tpu.memory_space<hbm>>) target(%dma_start3A_6 : memref<768xi32, #tpu.memory_space<vmem>>) target_semaphore(%arg7 : memref<!tpu.dma_semaphore, #tpu.memory_space<semaphore_mem>>)
    %add3A_8 = arith.constant 768 : i32
    %add3A_9 = arith.addi %mul3A_2, %add3A_8 : i32
    %dma_start3A_10 = arith.constant 768 : i32
    %dma_start3A_11 = tpu.memref_slice %arg5[%dma_start3A_10] : memref<1600xi32, #tpu.memory_space<vmem>> -> memref<832xi32, #tpu.memory_space<vmem>>
    %dma_start3A_12 = tpu.memref_slice %arg2[%add3A_9] : memref<51200xi32, #tpu.memory_space<hbm>> -> memref<832xi32, #tpu.memory_space<hbm>>
    %dma_start3A_13 = arith.constant 768 : i32
    %dma_start3A_14 = tpu.memref_slice %arg5[%dma_start3A_13] : memref<1600xi32, #tpu.memory_space<vmem>> -> memref<832xi32, #tpu.memory_space<vmem>>
    %dma_start3A_15 = tpu.memref_slice %arg2[%add3A_9] : memref<51200xi32, #tpu.memory_space<hbm>> -> memref<832xi32, #tpu.memory_space<hbm>>
    tpu.enqueue_dma source(%dma_start3A_15 : memref<832xi32, #tpu.memory_space<hbm>>) target(%dma_start3A_14 : memref<832xi32, #tpu.memory_space<vmem>>) target_semaphore(%arg7 : memref<!tpu.dma_semaphore, #tpu.memory_space<semaphore_mem>>)
    %dma_wait3A = arith.constant 0 : i32
    %dma_wait3A_16 = tpu.memref_slice %arg5[%dma_wait3A] : memref<1600xi32, #tpu.memory_space<vmem>> -> memref<768xi32, #tpu.memory_space<vmem>>
    %dma_wait3A_17 = tpu.memref_slice %arg2[%mul3A_2] : memref<51200xi32, #tpu.memory_space<hbm>> -> memref<768xi32, #tpu.memory_space<hbm>>
    %dma_wait3A_18 = arith.constant 0 : i32
    %dma_wait3A_19 = tpu.memref_slice %arg5[%dma_wait3A_18] : memref<1600xi32, #tpu.memory_space<vmem>> -> memref<768xi32, #tpu.memory_space<vmem>>
    %dma_wait3A_20 = tpu.memref_slice %arg2[%mul3A_2] : memref<51200xi32, #tpu.memory_space<hbm>> -> memref<768xi32, #tpu.memory_space<hbm>>
    tpu.wait_dma2 semaphore(%arg7 : memref<!tpu.dma_semaphore, #tpu.memory_space<semaphore_mem>>) src(%dma_wait3A_20 : memref<768xi32, #tpu.memory_space<hbm>>) dst(%dma_wait3A_19 : memref<768xi32, #tpu.memory_space<vmem>>)
    %dma_start3A_21 = arith.constant 0 : i32
    %dma_start3A_22 = tpu.memref_slice %arg6[%dma_start3A_21] : memref<1600xf32, #tpu.memory_space<vmem>> -> memref<128xf32, #tpu.memory_space<vmem>>
    %dma_start3A_23 = arith.constant 0 : i32
    %dma_start3A_24 = tpu.memref_slice %arg5[%dma_start3A_23] : memref<1600xi32, #tpu.memory_space<vmem>> -> memref<128xi32, #tpu.memory_space<vmem>>
    %dma_start3A_25 = arith.constant 0 : i32
    %dma_start3A_26 = tpu.memref_slice %arg3[%dma_start3A_25] : memref<102400000xf32, #tpu.memory_space<hbm>> -> memref<102400000xf32, #tpu.memory_space<hbm>>
    tpu.enqueue_indirect_dma source(%dma_start3A_26 : memref<102400000xf32, #tpu.memory_space<hbm>>) target(%dma_start3A_22 : memref<128xf32, #tpu.memory_space<vmem>>) offsets(%dma_start3A_24 : memref<128xi32, #tpu.memory_space<vmem>>) semaphore(%arg8 : memref<!tpu.dma_semaphore, #tpu.memory_space<semaphore_mem>>)
    %dma_start3A_27 = arith.constant 128 : i32
    %dma_start3A_28 = tpu.memref_slice %arg6[%dma_start3A_27] : memref<1600xf32, #tpu.memory_space<vmem>> -> memref<128xf32, #tpu.memory_space<vmem>>
    %dma_start3A_29 = arith.constant 128 : i32
    %dma_start3A_30 = tpu.memref_slice %arg5[%dma_start3A_29] : memref<1600xi32, #tpu.memory_space<vmem>> -> memref<128xi32, #tpu.memory_space<vmem>>
    %dma_start3A_31 = arith.constant 0 : i32
    %dma_start3A_32 = tpu.memref_slice %arg3[%dma_start3A_31] : memref<102400000xf32, #tpu.memory_space<hbm>> -> memref<102400000xf32, #tpu.memory_space<hbm>>
    tpu.enqueue_indirect_dma source(%dma_start3A_32 : memref<102400000xf32, #tpu.memory_space<hbm>>) target(%dma_start3A_28 : memref<128xf32, #tpu.memory_space<vmem>>) offsets(%dma_start3A_30 : memref<128xi32, #tpu.memory_space<vmem>>) semaphore(%arg8 : memref<!tpu.dma_semaphore, #tpu.memory_space<semaphore_mem>>)
    %dma_start3A_33 = arith.constant 256 : i32
    %dma_start3A_34 = tpu.memref_slice %arg6[%dma_start3A_33] : memref<1600xf32, #tpu.memory_space<vmem>> -> memref<128xf32, #tpu.memory_space<vmem>>
    %dma_start3A_35 = arith.constant 256 : i32
    %dma_start3A_36 = tpu.memref_slice %arg5[%dma_start3A_35] : memref<1600xi32, #tpu.memory_space<vmem>> -> memref<128xi32, #tpu.memory_space<vmem>>
    %dma_start3A_37 = arith.constant 0 : i32
    %dma_start3A_38 = tpu.memref_slice %arg3[%dma_start3A_37] : memref<102400000xf32, #tpu.memory_space<hbm>> -> memref<102400000xf32, #tpu.memory_space<hbm>>
    tpu.enqueue_indirect_dma source(%dma_start3A_38 : memref<102400000xf32, #tpu.memory_space<hbm>>) target(%dma_start3A_34 : memref<128xf32, #tpu.memory_space<vmem>>) offsets(%dma_start3A_36 : memref<128xi32, #tpu.memory_space<vmem>>) semaphore(%arg8 : memref<!tpu.dma_semaphore, #tpu.memory_space<semaphore_mem>>)
    %dma_start3A_39 = arith.constant 384 : i32
    %dma_start3A_40 = tpu.memref_slice %arg6[%dma_start3A_39] : memref<1600xf32, #tpu.memory_space<vmem>> -> memref<128xf32, #tpu.memory_space<vmem>>
    %dma_start3A_41 = arith.constant 384 : i32
    %dma_start3A_42 = tpu.memref_slice %arg5[%dma_start3A_41] : memref<1600xi32, #tpu.memory_space<vmem>> -> memref<128xi32, #tpu.memory_space<vmem>>
    %dma_start3A_43 = arith.constant 0 : i32
    %dma_start3A_44 = tpu.memref_slice %arg3[%dma_start3A_43] : memref<102400000xf32, #tpu.memory_space<hbm>> -> memref<102400000xf32, #tpu.memory_space<hbm>>
    tpu.enqueue_indirect_dma source(%dma_start3A_44 : memref<102400000xf32, #tpu.memory_space<hbm>>) target(%dma_start3A_40 : memref<128xf32, #tpu.memory_space<vmem>>) offsets(%dma_start3A_42 : memref<128xi32, #tpu.memory_space<vmem>>) semaphore(%arg8 : memref<!tpu.dma_semaphore, #tpu.memory_space<semaphore_mem>>)
    %dma_start3A_45 = arith.constant 512 : i32
    %dma_start3A_46 = tpu.memref_slice %arg6[%dma_start3A_45] : memref<1600xf32, #tpu.memory_space<vmem>> -> memref<128xf32, #tpu.memory_space<vmem>>
    %dma_start3A_47 = arith.constant 512 : i32
    %dma_start3A_48 = tpu.memref_slice %arg5[%dma_start3A_47] : memref<1600xi32, #tpu.memory_space<vmem>> -> memref<128xi32, #tpu.memory_space<vmem>>
    %dma_start3A_49 = arith.constant 0 : i32
    %dma_start3A_50 = tpu.memref_slice %arg3[%dma_start3A_49] : memref<102400000xf32, #tpu.memory_space<hbm>> -> memref<102400000xf32, #tpu.memory_space<hbm>>
    tpu.enqueue_indirect_dma source(%dma_start3A_50 : memref<102400000xf32, #tpu.memory_space<hbm>>) target(%dma_start3A_46 : memref<128xf32, #tpu.memory_space<vmem>>) offsets(%dma_start3A_48 : memref<128xi32, #tpu.memory_space<vmem>>) semaphore(%arg8 : memref<!tpu.dma_semaphore, #tpu.memory_space<semaphore_mem>>)
    %dma_start3A_51 = arith.constant 640 : i32
    %dma_start3A_52 = tpu.memref_slice %arg6[%dma_start3A_51] : memref<1600xf32, #tpu.memory_space<vmem>> -> memref<128xf32, #tpu.memory_space<vmem>>
    %dma_start3A_53 = arith.constant 640 : i32
    %dma_start3A_54 = tpu.memref_slice %arg5[%dma_start3A_53] : memref<1600xi32, #tpu.memory_space<vmem>> -> memref<128xi32, #tpu.memory_space<vmem>>
    %dma_start3A_55 = arith.constant 0 : i32
    %dma_start3A_56 = tpu.memref_slice %arg3[%dma_start3A_55] : memref<102400000xf32, #tpu.memory_space<hbm>> -> memref<102400000xf32, #tpu.memory_space<hbm>>
    tpu.enqueue_indirect_dma source(%dma_start3A_56 : memref<102400000xf32, #tpu.memory_space<hbm>>) target(%dma_start3A_52 : memref<128xf32, #tpu.memory_space<vmem>>) offsets(%dma_start3A_54 : memref<128xi32, #tpu.memory_space<vmem>>) semaphore(%arg8 : memref<!tpu.dma_semaphore, #tpu.memory_space<semaphore_mem>>)
    %dma_wait3A_57 = arith.constant 768 : i32
    %dma_wait3A_58 = tpu.memref_slice %arg5[%dma_wait3A_57] : memref<1600xi32, #tpu.memory_space<vmem>> -> memref<832xi32, #tpu.memory_space<vmem>>
    %dma_wait3A_59 = tpu.memref_slice %arg2[%add3A_9] : memref<51200xi32, #tpu.memory_space<hbm>> -> memref<832xi32, #tpu.memory_space<hbm>>
    %dma_wait3A_60 = arith.constant 768 : i32
    %dma_wait3A_61 = tpu.memref_slice %arg5[%dma_wait3A_60] : memref<1600xi32, #tpu.memory_space<vmem>> -> memref<832xi32, #tpu.memory_space<vmem>>
    %dma_wait3A_62 = tpu.memref_slice %arg2[%add3A_9] : memref<51200xi32, #tpu.memory_space<hbm>> -> memref<832xi32, #tpu.memory_space<hbm>>
    tpu.wait_dma2 semaphore(%arg7 : memref<!tpu.dma_semaphore, #tpu.memory_space<semaphore_mem>>) src(%dma_wait3A_62 : memref<832xi32, #tpu.memory_space<hbm>>) dst(%dma_wait3A_61 : memref<832xi32, #tpu.memory_space<vmem>>)
    %dma_start3A_63 = arith.constant 768 : i32
    %dma_start3A_64 = tpu.memref_slice %arg6[%dma_start3A_63] : memref<1600xf32, #tpu.memory_space<vmem>> -> memref<128xf32, #tpu.memory_space<vmem>>
    %dma_start3A_65 = arith.constant 768 : i32
    %dma_start3A_66 = tpu.memref_slice %arg5[%dma_start3A_65] : memref<1600xi32, #tpu.memory_space<vmem>> -> memref<128xi32, #tpu.memory_space<vmem>>
    %dma_start3A_67 = arith.constant 0 : i32
    %dma_start3A_68 = tpu.memref_slice %arg3[%dma_start3A_67] : memref<102400000xf32, #tpu.memory_space<hbm>> -> memref<102400000xf32, #tpu.memory_space<hbm>>
    tpu.enqueue_indirect_dma source(%dma_start3A_68 : memref<102400000xf32, #tpu.memory_space<hbm>>) target(%dma_start3A_64 : memref<128xf32, #tpu.memory_space<vmem>>) offsets(%dma_start3A_66 : memref<128xi32, #tpu.memory_space<vmem>>) semaphore(%arg8 : memref<!tpu.dma_semaphore, #tpu.memory_space<semaphore_mem>>)
    %dma_start3A_69 = arith.constant 896 : i32
    %dma_start3A_70 = tpu.memref_slice %arg6[%dma_start3A_69] : memref<1600xf32, #tpu.memory_space<vmem>> -> memref<128xf32, #tpu.memory_space<vmem>>
    %dma_start3A_71 = arith.constant 896 : i32
    %dma_start3A_72 = tpu.memref_slice %arg5[%dma_start3A_71] : memref<1600xi32, #tpu.memory_space<vmem>> -> memref<128xi32, #tpu.memory_space<vmem>>
    %dma_start3A_73 = arith.constant 0 : i32
    %dma_start3A_74 = tpu.memref_slice %arg3[%dma_start3A_73] : memref<102400000xf32, #tpu.memory_space<hbm>> -> memref<102400000xf32, #tpu.memory_space<hbm>>
    tpu.enqueue_indirect_dma source(%dma_start3A_74 : memref<102400000xf32, #tpu.memory_space<hbm>>) target(%dma_start3A_70 : memref<128xf32, #tpu.memory_space<vmem>>) offsets(%dma_start3A_72 : memref<128xi32, #tpu.memory_space<vmem>>) semaphore(%arg8 : memref<!tpu.dma_semaphore, #tpu.memory_space<semaphore_mem>>)
    %dma_start3A_75 = arith.constant 1024 : i32
    %dma_start3A_76 = tpu.memref_slice %arg6[%dma_start3A_75] : memref<1600xf32, #tpu.memory_space<vmem>> -> memref<128xf32, #tpu.memory_space<vmem>>
    %dma_start3A_77 = arith.constant 1024 : i32
    %dma_start3A_78 = tpu.memref_slice %arg5[%dma_start3A_77] : memref<1600xi32, #tpu.memory_space<vmem>> -> memref<128xi32, #tpu.memory_space<vmem>>
    %dma_start3A_79 = arith.constant 0 : i32
    %dma_start3A_80 = tpu.memref_slice %arg3[%dma_start3A_79] : memref<102400000xf32, #tpu.memory_space<hbm>> -> memref<102400000xf32, #tpu.memory_space<hbm>>
    tpu.enqueue_indirect_dma source(%dma_start3A_80 : memref<102400000xf32, #tpu.memory_space<hbm>>) target(%dma_start3A_76 : memref<128xf32, #tpu.memory_space<vmem>>) offsets(%dma_start3A_78 : memref<128xi32, #tpu.memory_space<vmem>>) semaphore(%arg8 : memref<!tpu.dma_semaphore, #tpu.memory_space<semaphore_mem>>)
    %dma_start3A_81 = arith.constant 1152 : i32
    %dma_start3A_82 = tpu.memref_slice %arg6[%dma_start3A_81] : memref<1600xf32, #tpu.memory_space<vmem>> -> memref<128xf32, #tpu.memory_space<vmem>>
    %dma_start3A_83 = arith.constant 1152 : i32
    %dma_start3A_84 = tpu.memref_slice %arg5[%dma_start3A_83] : memref<1600xi32, #tpu.memory_space<vmem>> -> memref<128xi32, #tpu.memory_space<vmem>>
    %dma_start3A_85 = arith.constant 0 : i32
    %dma_start3A_86 = tpu.memref_slice %arg3[%dma_start3A_85] : memref<102400000xf32, #tpu.memory_space<hbm>> -> memref<102400000xf32, #tpu.memory_space<hbm>>
    tpu.enqueue_indirect_dma source(%dma_start3A_86 : memref<102400000xf32, #tpu.memory_space<hbm>>) target(%dma_start3A_82 : memref<128xf32, #tpu.memory_space<vmem>>) offsets(%dma_start3A_84 : memref<128xi32, #tpu.memory_space<vmem>>) semaphore(%arg8 : memref<!tpu.dma_semaphore, #tpu.memory_space<semaphore_mem>>)
    %dma_start3A_87 = arith.constant 1280 : i32
    %dma_start3A_88 = tpu.memref_slice %arg6[%dma_start3A_87] : memref<1600xf32, #tpu.memory_space<vmem>> -> memref<128xf32, #tpu.memory_space<vmem>>
    %dma_start3A_89 = arith.constant 1280 : i32
    %dma_start3A_90 = tpu.memref_slice %arg5[%dma_start3A_89] : memref<1600xi32, #tpu.memory_space<vmem>> -> memref<128xi32, #tpu.memory_space<vmem>>
    %dma_start3A_91 = arith.constant 0 : i32
    %dma_start3A_92 = tpu.memref_slice %arg3[%dma_start3A_91] : memref<102400000xf32, #tpu.memory_space<hbm>> -> memref<102400000xf32, #tpu.memory_space<hbm>>
    tpu.enqueue_indirect_dma source(%dma_start3A_92 : memref<102400000xf32, #tpu.memory_space<hbm>>) target(%dma_start3A_88 : memref<128xf32, #tpu.memory_space<vmem>>) offsets(%dma_start3A_90 : memref<128xi32, #tpu.memory_space<vmem>>) semaphore(%arg8 : memref<!tpu.dma_semaphore, #tpu.memory_space<semaphore_mem>>)
    %dma_start3A_93 = arith.constant 1408 : i32
    %dma_start3A_94 = tpu.memref_slice %arg6[%dma_start3A_93] : memref<1600xf32, #tpu.memory_space<vmem>> -> memref<128xf32, #tpu.memory_space<vmem>>
    %dma_start3A_95 = arith.constant 1408 : i32
    %dma_start3A_96 = tpu.memref_slice %arg5[%dma_start3A_95] : memref<1600xi32, #tpu.memory_space<vmem>> -> memref<128xi32, #tpu.memory_space<vmem>>
    %dma_start3A_97 = arith.constant 0 : i32
    %dma_start3A_98 = tpu.memref_slice %arg3[%dma_start3A_97] : memref<102400000xf32, #tpu.memory_space<hbm>> -> memref<102400000xf32, #tpu.memory_space<hbm>>
    tpu.enqueue_indirect_dma source(%dma_start3A_98 : memref<102400000xf32, #tpu.memory_space<hbm>>) target(%dma_start3A_94 : memref<128xf32, #tpu.memory_space<vmem>>) offsets(%dma_start3A_96 : memref<128xi32, #tpu.memory_space<vmem>>) semaphore(%arg8 : memref<!tpu.dma_semaphore, #tpu.memory_space<semaphore_mem>>)
    %dma_start3A_99 = arith.constant 1536 : i32
    %dma_start3A_100 = tpu.memref_slice %arg6[%dma_start3A_99] : memref<1600xf32, #tpu.memory_space<vmem>> -> memref<64xf32, #tpu.memory_space<vmem>>
    %dma_start3A_101 = arith.constant 1536 : i32
    %dma_start3A_102 = tpu.memref_slice %arg5[%dma_start3A_101] : memref<1600xi32, #tpu.memory_space<vmem>> -> memref<64xi32, #tpu.memory_space<vmem>>
    %dma_start3A_103 = arith.constant 0 : i32
    %dma_start3A_104 = tpu.memref_slice %arg3[%dma_start3A_103] : memref<102400000xf32, #tpu.memory_space<hbm>> -> memref<102400000xf32, #tpu.memory_space<hbm>>
    tpu.enqueue_indirect_dma source(%dma_start3A_104 : memref<102400000xf32, #tpu.memory_space<hbm>>) target(%dma_start3A_100 : memref<64xf32, #tpu.memory_space<vmem>>) offsets(%dma_start3A_102 : memref<64xi32, #tpu.memory_space<vmem>>) semaphore(%arg8 : memref<!tpu.dma_semaphore, #tpu.memory_space<semaphore_mem>>)
    %dma_wait3A_105 = arith.constant 0 : i32
    %dma_wait3A_106 = tpu.memref_slice %arg6[%dma_wait3A_105] : memref<1600xf32, #tpu.memory_space<vmem>> -> memref<128xf32, #tpu.memory_space<vmem>>
    %dma_wait3A_107 = arith.constant 0 : i32
    %dma_wait3A_108 = tpu.memref_slice %arg5[%dma_wait3A_107] : memref<1600xi32, #tpu.memory_space<vmem>> -> memref<128xi32, #tpu.memory_space<vmem>>
    %dma_wait3A_109 = arith.constant 0 : i32
    %dma_wait3A_110 = tpu.memref_slice %arg3[%dma_wait3A_109] : memref<102400000xf32, #tpu.memory_space<hbm>> -> memref<102400000xf32, #tpu.memory_space<hbm>>
    tpu.wait_indirect_dma semaphore(%arg8 : memref<!tpu.dma_semaphore, #tpu.memory_space<semaphore_mem>>) src(%dma_wait3A_110 : memref<102400000xf32, #tpu.memory_space<hbm>>) dst(%dma_wait3A_106 : memref<128xf32, #tpu.memory_space<vmem>>)
    %dma_wait3A_111 = arith.constant 128 : i32
    %dma_wait3A_112 = tpu.memref_slice %arg6[%dma_wait3A_111] : memref<1600xf32, #tpu.memory_space<vmem>> -> memref<128xf32, #tpu.memory_space<vmem>>
    %dma_wait3A_113 = arith.constant 128 : i32
    %dma_wait3A_114 = tpu.memref_slice %arg5[%dma_wait3A_113] : memref<1600xi32, #tpu.memory_space<vmem>> -> memref<128xi32, #tpu.memory_space<vmem>>
    %dma_wait3A_115 = arith.constant 0 : i32
    %dma_wait3A_116 = tpu.memref_slice %arg3[%dma_wait3A_115] : memref<102400000xf32, #tpu.memory_space<hbm>> -> memref<102400000xf32, #tpu.memory_space<hbm>>
    tpu.wait_indirect_dma semaphore(%arg8 : memref<!tpu.dma_semaphore, #tpu.memory_space<semaphore_mem>>) src(%dma_wait3A_116 : memref<102400000xf32, #tpu.memory_space<hbm>>) dst(%dma_wait3A_112 : memref<128xf32, #tpu.memory_space<vmem>>)
    %dma_wait3A_117 = arith.constant 256 : i32
    %dma_wait3A_118 = tpu.memref_slice %arg6[%dma_wait3A_117] : memref<1600xf32, #tpu.memory_space<vmem>> -> memref<128xf32, #tpu.memory_space<vmem>>
    %dma_wait3A_119 = arith.constant 256 : i32
    %dma_wait3A_120 = tpu.memref_slice %arg5[%dma_wait3A_119] : memref<1600xi32, #tpu.memory_space<vmem>> -> memref<128xi32, #tpu.memory_space<vmem>>
    %dma_wait3A_121 = arith.constant 0 : i32
    %dma_wait3A_122 = tpu.memref_slice %arg3[%dma_wait3A_121] : memref<102400000xf32, #tpu.memory_space<hbm>> -> memref<102400000xf32, #tpu.memory_space<hbm>>
    tpu.wait_indirect_dma semaphore(%arg8 : memref<!tpu.dma_semaphore, #tpu.memory_space<semaphore_mem>>) src(%dma_wait3A_122 : memref<102400000xf32, #tpu.memory_space<hbm>>) dst(%dma_wait3A_118 : memref<128xf32, #tpu.memory_space<vmem>>)
    %dma_wait3A_123 = arith.constant 384 : i32
    %dma_wait3A_124 = tpu.memref_slice %arg6[%dma_wait3A_123] : memref<1600xf32, #tpu.memory_space<vmem>> -> memref<128xf32, #tpu.memory_space<vmem>>
    %dma_wait3A_125 = arith.constant 384 : i32
    %dma_wait3A_126 = tpu.memref_slice %arg5[%dma_wait3A_125] : memref<1600xi32, #tpu.memory_space<vmem>> -> memref<128xi32, #tpu.memory_space<vmem>>
    %dma_wait3A_127 = arith.constant 0 : i32
    %dma_wait3A_128 = tpu.memref_slice %arg3[%dma_wait3A_127] : memref<102400000xf32, #tpu.memory_space<hbm>> -> memref<102400000xf32, #tpu.memory_space<hbm>>
    tpu.wait_indirect_dma semaphore(%arg8 : memref<!tpu.dma_semaphore, #tpu.memory_space<semaphore_mem>>) src(%dma_wait3A_128 : memref<102400000xf32, #tpu.memory_space<hbm>>) dst(%dma_wait3A_124 : memref<128xf32, #tpu.memory_space<vmem>>)
    %dma_wait3A_129 = arith.constant 512 : i32
    %dma_wait3A_130 = tpu.memref_slice %arg6[%dma_wait3A_129] : memref<1600xf32, #tpu.memory_space<vmem>> -> memref<128xf32, #tpu.memory_space<vmem>>
    %dma_wait3A_131 = arith.constant 512 : i32
    %dma_wait3A_132 = tpu.memref_slice %arg5[%dma_wait3A_131] : memref<1600xi32, #tpu.memory_space<vmem>> -> memref<128xi32, #tpu.memory_space<vmem>>
    %dma_wait3A_133 = arith.constant 0 : i32
    %dma_wait3A_134 = tpu.memref_slice %arg3[%dma_wait3A_133] : memref<102400000xf32, #tpu.memory_space<hbm>> -> memref<102400000xf32, #tpu.memory_space<hbm>>
    tpu.wait_indirect_dma semaphore(%arg8 : memref<!tpu.dma_semaphore, #tpu.memory_space<semaphore_mem>>) src(%dma_wait3A_134 : memref<102400000xf32, #tpu.memory_space<hbm>>) dst(%dma_wait3A_130 : memref<128xf32, #tpu.memory_space<vmem>>)
    %dma_wait3A_135 = arith.constant 640 : i32
    %dma_wait3A_136 = tpu.memref_slice %arg6[%dma_wait3A_135] : memref<1600xf32, #tpu.memory_space<vmem>> -> memref<128xf32, #tpu.memory_space<vmem>>
    %dma_wait3A_137 = arith.constant 640 : i32
    %dma_wait3A_138 = tpu.memref_slice %arg5[%dma_wait3A_137] : memref<1600xi32, #tpu.memory_space<vmem>> -> memref<128xi32, #tpu.memory_space<vmem>>
    %dma_wait3A_139 = arith.constant 0 : i32
    %dma_wait3A_140 = tpu.memref_slice %arg3[%dma_wait3A_139] : memref<102400000xf32, #tpu.memory_space<hbm>> -> memref<102400000xf32, #tpu.memory_space<hbm>>
    tpu.wait_indirect_dma semaphore(%arg8 : memref<!tpu.dma_semaphore, #tpu.memory_space<semaphore_mem>>) src(%dma_wait3A_140 : memref<102400000xf32, #tpu.memory_space<hbm>>) dst(%dma_wait3A_136 : memref<128xf32, #tpu.memory_space<vmem>>)
    %dma_start3A_141 = arith.constant 0 : i32
    %dma_start3A_142 = tpu.memref_slice %arg6[%dma_start3A_141] : memref<1600xf32, #tpu.memory_space<vmem>> -> memref<768xf32, #tpu.memory_space<vmem>>
    %dma_start3A_143 = tpu.memref_slice %arg4[%mul3A_2] : memref<51200xf32, #tpu.memory_space<hbm>> -> memref<768xf32, #tpu.memory_space<hbm>>
    %dma_start3A_144 = tpu.memref_slice %arg4[%mul3A_2] : memref<51200xf32, #tpu.memory_space<hbm>> -> memref<768xf32, #tpu.memory_space<hbm>>
    %dma_start3A_145 = arith.constant 0 : i32
    %dma_start3A_146 = tpu.memref_slice %arg6[%dma_start3A_145] : memref<1600xf32, #tpu.memory_space<vmem>> -> memref<768xf32, #tpu.memory_space<vmem>>
    tpu.enqueue_dma source(%dma_start3A_146 : memref<768xf32, #tpu.memory_space<vmem>>) target(%dma_start3A_144 : memref<768xf32, #tpu.memory_space<hbm>>) target_semaphore(%arg9 : memref<!tpu.dma_semaphore, #tpu.memory_space<semaphore_mem>>)
    %dma_wait3A_147 = arith.constant 768 : i32
    %dma_wait3A_148 = tpu.memref_slice %arg6[%dma_wait3A_147] : memref<1600xf32, #tpu.memory_space<vmem>> -> memref<128xf32, #tpu.memory_space<vmem>>
    %dma_wait3A_149 = arith.constant 768 : i32
    %dma_wait3A_150 = tpu.memref_slice %arg5[%dma_wait3A_149] : memref<1600xi32, #tpu.memory_space<vmem>> -> memref<128xi32, #tpu.memory_space<vmem>>
    %dma_wait3A_151 = arith.constant 0 : i32
    %dma_wait3A_152 = tpu.memref_slice %arg3[%dma_wait3A_151] : memref<102400000xf32, #tpu.memory_space<hbm>> -> memref<102400000xf32, #tpu.memory_space<hbm>>
    tpu.wait_indirect_dma semaphore(%arg8 : memref<!tpu.dma_semaphore, #tpu.memory_space<semaphore_mem>>) src(%dma_wait3A_152 : memref<102400000xf32, #tpu.memory_space<hbm>>) dst(%dma_wait3A_148 : memref<128xf32, #tpu.memory_space<vmem>>)
    %dma_wait3A_153 = arith.constant 896 : i32
    %dma_wait3A_154 = tpu.memref_slice %arg6[%dma_wait3A_153] : memref<1600xf32, #tpu.memory_space<vmem>> -> memref<128xf32, #tpu.memory_space<vmem>>
    %dma_wait3A_155 = arith.constant 896 : i32
    %dma_wait3A_156 = tpu.memref_slice %arg5[%dma_wait3A_155] : memref<1600xi32, #tpu.memory_space<vmem>> -> memref<128xi32, #tpu.memory_space<vmem>>
    %dma_wait3A_157 = arith.constant 0 : i32
    %dma_wait3A_158 = tpu.memref_slice %arg3[%dma_wait3A_157] : memref<102400000xf32, #tpu.memory_space<hbm>> -> memref<102400000xf32, #tpu.memory_space<hbm>>
    tpu.wait_indirect_dma semaphore(%arg8 : memref<!tpu.dma_semaphore, #tpu.memory_space<semaphore_mem>>) src(%dma_wait3A_158 : memref<102400000xf32, #tpu.memory_space<hbm>>) dst(%dma_wait3A_154 : memref<128xf32, #tpu.memory_space<vmem>>)
    %dma_wait3A_159 = arith.constant 1024 : i32
    %dma_wait3A_160 = tpu.memref_slice %arg6[%dma_wait3A_159] : memref<1600xf32, #tpu.memory_space<vmem>> -> memref<128xf32, #tpu.memory_space<vmem>>
    %dma_wait3A_161 = arith.constant 1024 : i32
    %dma_wait3A_162 = tpu.memref_slice %arg5[%dma_wait3A_161] : memref<1600xi32, #tpu.memory_space<vmem>> -> memref<128xi32, #tpu.memory_space<vmem>>
    %dma_wait3A_163 = arith.constant 0 : i32
    %dma_wait3A_164 = tpu.memref_slice %arg3[%dma_wait3A_163] : memref<102400000xf32, #tpu.memory_space<hbm>> -> memref<102400000xf32, #tpu.memory_space<hbm>>
    tpu.wait_indirect_dma semaphore(%arg8 : memref<!tpu.dma_semaphore, #tpu.memory_space<semaphore_mem>>) src(%dma_wait3A_164 : memref<102400000xf32, #tpu.memory_space<hbm>>) dst(%dma_wait3A_160 : memref<128xf32, #tpu.memory_space<vmem>>)
    %dma_wait3A_165 = arith.constant 1152 : i32
    %dma_wait3A_166 = tpu.memref_slice %arg6[%dma_wait3A_165] : memref<1600xf32, #tpu.memory_space<vmem>> -> memref<128xf32, #tpu.memory_space<vmem>>
    %dma_wait3A_167 = arith.constant 1152 : i32
    %dma_wait3A_168 = tpu.memref_slice %arg5[%dma_wait3A_167] : memref<1600xi32, #tpu.memory_space<vmem>> -> memref<128xi32, #tpu.memory_space<vmem>>
    %dma_wait3A_169 = arith.constant 0 : i32
    %dma_wait3A_170 = tpu.memref_slice %arg3[%dma_wait3A_169] : memref<102400000xf32, #tpu.memory_space<hbm>> -> memref<102400000xf32, #tpu.memory_space<hbm>>
    tpu.wait_indirect_dma semaphore(%arg8 : memref<!tpu.dma_semaphore, #tpu.memory_space<semaphore_mem>>) src(%dma_wait3A_170 : memref<102400000xf32, #tpu.memory_space<hbm>>) dst(%dma_wait3A_166 : memref<128xf32, #tpu.memory_space<vmem>>)
    %dma_wait3A_171 = arith.constant 1280 : i32
    %dma_wait3A_172 = tpu.memref_slice %arg6[%dma_wait3A_171] : memref<1600xf32, #tpu.memory_space<vmem>> -> memref<128xf32, #tpu.memory_space<vmem>>
    %dma_wait3A_173 = arith.constant 1280 : i32
    %dma_wait3A_174 = tpu.memref_slice %arg5[%dma_wait3A_173] : memref<1600xi32, #tpu.memory_space<vmem>> -> memref<128xi32, #tpu.memory_space<vmem>>
    %dma_wait3A_175 = arith.constant 0 : i32
    %dma_wait3A_176 = tpu.memref_slice %arg3[%dma_wait3A_175] : memref<102400000xf32, #tpu.memory_space<hbm>> -> memref<102400000xf32, #tpu.memory_space<hbm>>
    tpu.wait_indirect_dma semaphore(%arg8 : memref<!tpu.dma_semaphore, #tpu.memory_space<semaphore_mem>>) src(%dma_wait3A_176 : memref<102400000xf32, #tpu.memory_space<hbm>>) dst(%dma_wait3A_172 : memref<128xf32, #tpu.memory_space<vmem>>)
    %dma_wait3A_177 = arith.constant 1408 : i32
    %dma_wait3A_178 = tpu.memref_slice %arg6[%dma_wait3A_177] : memref<1600xf32, #tpu.memory_space<vmem>> -> memref<128xf32, #tpu.memory_space<vmem>>
    %dma_wait3A_179 = arith.constant 1408 : i32
    %dma_wait3A_180 = tpu.memref_slice %arg5[%dma_wait3A_179] : memref<1600xi32, #tpu.memory_space<vmem>> -> memref<128xi32, #tpu.memory_space<vmem>>
    %dma_wait3A_181 = arith.constant 0 : i32
    %dma_wait3A_182 = tpu.memref_slice %arg3[%dma_wait3A_181] : memref<102400000xf32, #tpu.memory_space<hbm>> -> memref<102400000xf32, #tpu.memory_space<hbm>>
    tpu.wait_indirect_dma semaphore(%arg8 : memref<!tpu.dma_semaphore, #tpu.memory_space<semaphore_mem>>) src(%dma_wait3A_182 : memref<102400000xf32, #tpu.memory_space<hbm>>) dst(%dma_wait3A_178 : memref<128xf32, #tpu.memory_space<vmem>>)
    %dma_wait3A_183 = arith.constant 1536 : i32
    %dma_wait3A_184 = tpu.memref_slice %arg6[%dma_wait3A_183] : memref<1600xf32, #tpu.memory_space<vmem>> -> memref<64xf32, #tpu.memory_space<vmem>>
    %dma_wait3A_185 = arith.constant 1536 : i32
    %dma_wait3A_186 = tpu.memref_slice %arg5[%dma_wait3A_185] : memref<1600xi32, #tpu.memory_space<vmem>> -> memref<64xi32, #tpu.memory_space<vmem>>
    %dma_wait3A_187 = arith.constant 0 : i32
    %dma_wait3A_188 = tpu.memref_slice %arg3[%dma_wait3A_187] : memref<102400000xf32, #tpu.memory_space<hbm>> -> memref<102400000xf32, #tpu.memory_space<hbm>>
    tpu.wait_indirect_dma semaphore(%arg8 : memref<!tpu.dma_semaphore, #tpu.memory_space<semaphore_mem>>) src(%dma_wait3A_188 : memref<102400000xf32, #tpu.memory_space<hbm>>) dst(%dma_wait3A_184 : memref<64xf32, #tpu.memory_space<vmem>>)
    %add3A_189 = arith.constant 768 : i32
    %add3A_190 = arith.addi %mul3A_2, %add3A_189 : i32
    %dma_start3A_191 = arith.constant 768 : i32
    %dma_start3A_192 = tpu.memref_slice %arg6[%dma_start3A_191] : memref<1600xf32, #tpu.memory_space<vmem>> -> memref<832xf32, #tpu.memory_space<vmem>>
    %dma_start3A_193 = tpu.memref_slice %arg4[%add3A_190] : memref<51200xf32, #tpu.memory_space<hbm>> -> memref<832xf32, #tpu.memory_space<hbm>>
    %dma_start3A_194 = tpu.memref_slice %arg4[%add3A_190] : memref<51200xf32, #tpu.memory_space<hbm>> -> memref<832xf32, #tpu.memory_space<hbm>>
    %dma_start3A_195 = arith.constant 768 : i32
    %dma_start3A_196 = tpu.memref_slice %arg6[%dma_start3A_195] : memref<1600xf32, #tpu.memory_space<vmem>> -> memref<832xf32, #tpu.memory_space<vmem>>
    tpu.enqueue_dma source(%dma_start3A_196 : memref<832xf32, #tpu.memory_space<vmem>>) target(%dma_start3A_194 : memref<832xf32, #tpu.memory_space<hbm>>) target_semaphore(%arg9 : memref<!tpu.dma_semaphore, #tpu.memory_space<semaphore_mem>>)
    %dma_wait3A_197 = arith.constant 0 : i32
    %dma_wait3A_198 = tpu.memref_slice %arg6[%dma_wait3A_197] : memref<1600xf32, #tpu.memory_space<vmem>> -> memref<768xf32, #tpu.memory_space<vmem>>
    %dma_wait3A_199 = tpu.memref_slice %arg4[%mul3A_2] : memref<51200xf32, #tpu.memory_space<hbm>> -> memref<768xf32, #tpu.memory_space<hbm>>
    %dma_wait3A_200 = tpu.memref_slice %arg4[%mul3A_2] : memref<51200xf32, #tpu.memory_space<hbm>> -> memref<768xf32, #tpu.memory_space<hbm>>
    %dma_wait3A_201 = arith.constant 0 : i32
    %dma_wait3A_202 = tpu.memref_slice %arg6[%dma_wait3A_201] : memref<1600xf32, #tpu.memory_space<vmem>> -> memref<768xf32, #tpu.memory_space<vmem>>
    tpu.wait_dma2 semaphore(%arg9 : memref<!tpu.dma_semaphore, #tpu.memory_space<semaphore_mem>>) src(%dma_wait3A_202 : memref<768xf32, #tpu.memory_space<vmem>>) dst(%dma_wait3A_200 : memref<768xf32, #tpu.memory_space<hbm>>)
    %dma_wait3A_203 = arith.constant 768 : i32
    %dma_wait3A_204 = tpu.memref_slice %arg6[%dma_wait3A_203] : memref<1600xf32, #tpu.memory_space<vmem>> -> memref<832xf32, #tpu.memory_space<vmem>>
    %dma_wait3A_205 = tpu.memref_slice %arg4[%add3A_190] : memref<51200xf32, #tpu.memory_space<hbm>> -> memref<832xf32, #tpu.memory_space<hbm>>
    %dma_wait3A_206 = tpu.memref_slice %arg4[%add3A_190] : memref<51200xf32, #tpu.memory_space<hbm>> -> memref<832xf32, #tpu.memory_space<hbm>>
    %dma_wait3A_207 = arith.constant 768 : i32
    %dma_wait3A_208 = tpu.memref_slice %arg6[%dma_wait3A_207] : memref<1600xf32, #tpu.memory_space<vmem>> -> memref<832xf32, #tpu.memory_space<vmem>>
    tpu.wait_dma2 semaphore(%arg9 : memref<!tpu.dma_semaphore, #tpu.memory_space<semaphore_mem>>) src(%dma_wait3A_208 : memref<832xf32, #tpu.memory_space<vmem>>) dst(%dma_wait3A_206 : memref<832xf32, #tpu.memory_space<hbm>>)
    return
  }
}

</mosaic_0001>

<sc_bundles>
// kernel: kernel.3.cloned.1.call-start
scs
__scs_entry_jumppad:
0x0: {  	(pc) =	sbr.rel $0x88, $3  }
0x1: {  	(tag) =	ssettag $0x0;
	lr =	simm.s32 $0x1  }
0x2: {  	[smem:$0x3F9E] =	sst lr;
	_ =	strace $0xD0000000  }
0x3: {  	_ = 	snop  }
0x4: {  	_ = 	snop  }
0x5: {  	_ = 	snop  }
0x6: {  	_ = 	snop  }
0x7: {  	_ = 	snop  }
__scs_overlays_trampoline_lowered:
0x8: {  	[smem:$0x3FAD] =	sst s0  }
0x9: {  	[smem:$0x3FAE] =	sst s1  }
0xa: {  	[smem:$0x3FAF] =	sst s2  }
0xb: {  	[smem:$0x3FB0] =	sst s3  }
0xc: {  	[smem:$0x3FB1] =	sst s4  }
0xd: {  	[smem:$0x3FB2] =	sst s5  }
0xe: {  	[smem:$0x3FB3] =	sst s6  }
0xf: {  	[smem:$0x3FB4] =	sst s7  }
0x10: {  	[smem:$0x3FB5] =	sst s8  }
0x11: {  	[smem:$0x3FB6] =	sst s9;
	s0 =	simm.s32 @!p0 $0x0  }
0x12: {  	s1 =	sld [smem:$0x3F9C];
	s0 =	simm.s32 @p0 $0x1  }
0x13: {  	[smem:$0x3FB7] =	sst s0;
	s0 =	simm.s32 @!p1 $0x0  }
0x14: {  	s2 =	sld [smem:$0x3F9B];
	s0 =	simm.s32 @p1 $0x1  }
0x15: {  	[smem:$0x3FB8] =	sst s0;
	s0 =	simm.s32 @!p2 $0x0  }
0x16: {  	s3 =	sld [smem:$0x3FDB];
	s0 =	simm.s32 @p2 $0x1  }
0x17: {  	s4 =	simm.s32 $0x1BF5;
	[smem:$0x3FBA] =	sst s0  }
0x18: {  	s0 =	sld [smem:$0x3F9D];
	_ =	swait.ge [sflag:s4], $0x0  }
0x19: {  	s7 =	sld [smem:$0x3F9E]  }
0x1a: {  	s8 =	sadd.s32 $0xFFFFE003, lr  }
0x1b: {  	s9 =	sadd.s32 $0xFFFFFEF7, lr;
	s5 =	simm.s32 $0xFFFFFFFF;
	p2 =	slt.u32 s8, $0xFFFFF086  }
0x1c: {  	p1 =	slt.u32 s9, $0xF7A;
	s5 =	simm.s32 @!p2 $0x0  }
0x1d: {  	s5 =	simm.s32 @p1 $0x1;
	p0 =	seq.s32 s7, s2  }
0x1e: {  	s7 =	smul.u32 @!p0 $0xF7A, s2;
	p2 =	seq.s32 @!p0 s5, $0x0  }
0x1f: {  	s9 =	smul.u32 $0xF7A, s1;
	s8 =	simm.s32 @!p0 $0x1BF5;
	p2 =	por !p2, p0  }
0x20: {  	[sflag:s8] =	ssyncset.s32 @!p0 $0xFFFFF086;
	s6 =	sadd.s32 @!p0 s3, s7;
	s7 =	simm.s32 @!p0 $0x108  }
0x21: {  	s3 =	sadd.s32 s3, s9;
	s6 =	sadd.s32 @!p0 $0x88, s6;
	s7 =	simm.s32 @p2 $0x1082  }
0x22: {  	[simem:s7], [sflag:s8] =	dma.local @!p0 [hbm:s6], $0xF7A  }
0x23: {  	s9 =	sor.u32 $0xD0000000, s2;
	s6 =	simm.s32 $0x108;
	_ =	swait.ge @!p0 [sflag:s8], $0x0  }
0x24: {  	s3 =	sadd.s32 $0x88, s3;
	s6 =	simm.s32 @!p1 $0x1082;
	[sflag:s4] =	ssyncset.s32 $0xFFFFF086  }
0x25: {  	[simem:s6], [sflag:s4] =	dma.local [hbm:s3], $0xF7A  }
0x26: {  	[smem:$0x3F9E] =	sst s1;
	(tag) =	ssettag s2;
	_ =	strace s9  }
0x27: {  	s1 =	sld [smem:$0x3FAE]  }
0x28: {  	s2 =	sld [smem:$0x3FAF]  }
0x29: {  	s4 =	sld [smem:$0x3FB1]  }
0x2a: {  	p0 =	seq.s32 s5, $0x0;
	s5 =	sld [smem:$0x3FB2]  }
0x2b: {  	s6 =	sld [smem:$0x3FB3]  }
0x2c: {  	s7 =	sld [smem:$0x3FB4]  }
0x2d: {  	s3 =	simm.s32 $0x108;
	s8 =	sld [smem:$0x3FB5]  }
0x2e: {  	s3 =	simm.s32 @!p0 $0x1082;
	s9 =	sld [smem:$0x3FB6]  }
0x2f: {  	lr =	sadd.s32 s0, s3;
	s0 =	sld [smem:$0x3FAD]  }
0x30: {  	s3 =	sld [smem:$0x3FB0]  }
0x31: {  	[smem:$0x3FB9] =	sst s10  }
0x32: {  	s10 =	sld [smem:$0x3FB7];
	_ =	sdelay $0x3  }
0x33: {  	p0 =	seq.s32 s10, $0x1;
	s10 =	sld [smem:$0x3FB9];
	_ =	sdelay $0x3  }
0x34: {  	[smem:$0x3FB9] =	sst s10  }
0x35: {  	s10 =	sld [smem:$0x3FB8];
	_ =	sdelay $0x3  }
0x36: {  	p1 =	seq.s32 s10, $0x1;
	s10 =	sld [smem:$0x3FB9];
	_ =	sdelay $0x3  }
0x37: {  	[smem:$0x3FB9] =	sst s10  }
0x38: {  	s10 =	sld [smem:$0x3FBA]  }
0x39: {  	_ = 	snop;
	(pc) =	sbr.ind lr, $3  }
0x3a: {  	_ = 	snop  }
0x3b: {  	_ = 	snop  }
0x3c: {  	p2 =	seq.s32 s10, $0x1;
	s10 =	sld [smem:$0x3FB9]  }
0x3d: {  	_ =	shalt  }
0x3e: {  	_ =	shalt  }
0x3f: {  	_ =	shalt  }
0x40: {  	_ =	shalt  }
0x41: {  	_ =	shalt  }
0x42: {  	_ =	shalt  }
0x43: {  	_ =	shalt  }
0x44: {  	_ =	shalt  }
0x45: {  	_ =	shalt  }
0x46: {  	_ =	shalt  }
0x47: {  	_ =	shalt  }
0x48: {  	_ =	shalt  }
0x49: {  	_ =	shalt  }
0x4a: {  	_ =	shalt  }
0x4b: {  	_ =	shalt  }
0x4c: {  	_ =	shalt  }
0x4d: {  	_ =	shalt  }
0x4e: {  	_ =	shalt  }
0x4f: {  	_ =	shalt  }
0x50: {  	_ =	shalt  }
0x51: {  	_ =	shalt  }
0x52: {  	_ =	shalt  }
0x53: {  	_ =	shalt  }
0x54: {  	_ =	shalt  }
0x55: {  	_ =	shalt  }
0x56: {  	_ =	shalt  }
0x57: {  	_ =	shalt  }
0x58: {  	_ =	shalt  }
0x59: {  	_ =	shalt  }
0x5a: {  	_ =	shalt  }
0x5b: {  	_ =	shalt  }
0x5c: {  	_ =	shalt  }
0x5d: {  	_ =	shalt  }
0x5e: {  	_ =	shalt  }
0x5f: {  	_ =	shalt  }
0x60: {  	_ =	shalt  }
0x61: {  	_ =	shalt  }
0x62: {  	_ =	shalt  }
0x63: {  	_ =	shalt  }
0x64: {  	_ =	shalt  }
0x65: {  	_ =	shalt  }
0x66: {  	_ =	shalt  }
0x67: {  	_ =	shalt  }
0x68: {  	_ =	shalt  }
0x69: {  	_ =	shalt  }
0x6a: {  	_ =	shalt  }
0x6b: {  	_ =	shalt  }
0x6c: {  	_ =	shalt  }
0x6d: {  	_ =	shalt  }
0x6e: {  	_ =	shalt  }
0x6f: {  	_ =	shalt  }
0x70: {  	_ =	shalt  }
0x71: {  	_ =	shalt  }
0x72: {  	_ =	shalt  }
0x73: {  	_ =	shalt  }
0x74: {  	_ =	shalt  }
0x75: {  	_ =	shalt  }
0x76: {  	_ =	shalt  }
0x77: {  	_ =	shalt  }
0x78: {  	_ =	shalt  }
0x79: {  	_ =	shalt  }
0x7a: {  	_ =	shalt  }
0x7b: {  	_ =	shalt  }
0x7c: {  	_ =	shalt  }
0x7d: {  	_ =	shalt  }
0x7e: {  	_ =	shalt  }
0x7f: {  	_ =	shalt  }
0x80: {  	_ =	shalt  }
0x81: {  	_ =	shalt  }
0x82: {  	_ =	shalt  }
0x83: {  	_ =	shalt  }
0x84: {  	_ =	shalt  }
0x85: {  	_ =	shalt  }
0x86: {  	_ =	shalt  }
0x87: {  	_ =	shalt  }
.Lfunc_end0:
.L_simem_size_0:
called_computation_lowered:
.L_overlay_start_0:
0x88: {  	s2 =	sld [smem:$0x3FD9]  }
0x89: {  	s3 =	sld [smem:$0x3FFE];
	_ =	sdelay $0x1  }
0x8a: {  	s1 =	srdreg.scid  }
0x8b: {  	s0 =	sand.u32 $0x1, s1  }
0x8c: {  	s17 =	sshll.u32 s0, $0xA;
	s2 =	sadd.s32 s3, s2  }
0x8d: {  	s2 =	sadd.s32 s2, s17  }
0x8e: {  	[smem:$0x3FC5] =	sst s2  }
0x8f: {  	_ = 	snop  }
0x90: {  	s2 =	sld [smem:$0x3FC9];
	(tm) =	ssettm $0x1  }
0x91: {  	s18 =	sld [smem:$0x3FFB];
	_ =	sdelay $0x3  }
0x92: {  	_ =	strace s18  }
0x93: {  	s3 =	sld [smem:$0x3FFC];
	_ =	sdelay $0x3  }
0x94: {  	_ =	strace s3  }
0x95: {  	s3 =	sld [smem:$0x3FFD];
	_ =	sdelay $0x3  }
0x96: {  	_ =	strace s3  }
0x97: {  	_ =	strace $0x8FFFFFFF  }
0x98: {  	s19 =	sld [smem:$0x3FDB];
	_ =	sdelay $0x1  }
0x99: {  	s4 =	simm.s32 $_scs_section_size  }
0x9a: {  	s5 =	simm.s32 $_size__tile_overlayer_lowered;
	s6 =	simm.s32 $_tile_overlayer_lowered  }
0x9b: {  	s22 =	simm.s32 $0x1BFF;
	s21 =	sshll.u32 s6, $0x1;
	s3 =	sadd.s32 s4, s19  }
0x9c: {  	s7 =	simm.s32 $0x0;
	s20 =	sshll.u32 s5, $0x1;
	s5 =	sadd.s32 s21, s3  }
0x9d: {  	[timem:s7], [sflag:s22] =	dma.local [hbm:s5], s20  }
0x9e: {  	_ =	swait.ge [sflag:s22], s20  }
0x9f: {  	s4 =	ssub.s32 $0x0, s20;
	[sflag:s22] =	ssyncset.done $0x0  }
0xa0: {  	[sflag:s22] =	ssyncadd.s32 s4;
	_ =	sdelay $0x1  }
0xa1: {  	s23 =	simm.s32 $0x1B8B  }
0xa2: {  	_ =	swait.ge [sflag:s23], $0x1  }
0xa3: {  	[sflag:s23] =	ssyncset.done $0x0  }
0xa4: {  	s25 =	simm.s32 $0x1B8E;
	s24 =	sld [smem:$0x3FFE];
	[sflag:s23] =	ssyncadd.s32 $0xFFFFFFFF  }
0xa5: {  	s26 =	simm.s32 $execute0_lowered;
	[smem:$0x3FD2] =	sst s25  }
0xa6: {  	s5 =	sshll.u32 s26, $0x1;
	_ =	strace $0x80000046;
	[dreg:$0x1] =	wrdreg $0xFFFFFFFF  }
0xa7: {  	s28 =	simm.s32 $_size_execute0_lowered;
	s3 =	sadd.s32 s3, s5;
	[dreg:$0x0] =	wrdreg $0x0  }
0xa8: {  	s5 =	sshll.u32 s28, $0x1;
	[dreg:$0x2] =	wrdreg s3  }
0xa9: {  	[dreg:$0x3] =	wrdreg s5  }
0xaa: {  	[dreg:$0x4] =	wrdreg $0xC0  }
0xab: {  	_ =	task [dreg:s7], $0x5FFFF  }
0xac: {  	[dreg:$0x1] =	wrdreg $0xFFFFFFFF  }
0xad: {  	[dreg:$0x0] =	wrdreg $0x60  }
0xae: {  	[dreg:$0x2] =	wrdreg s24  }
0xaf: {  	[dreg:$0x3] =	wrdreg s2  }
0xb0: {  	[dreg:$0x4] =	wrdreg $0x9  }
0xb1: {  	_ =	task.clear_ibuf [dreg:s7], $0x5FFFF;
	_ =	strace $0x90000046  }
0xb2: {  	s29 =	simm.s32 $0x9;
	_ =	strace $0x80000048  }
0xb3: {  	_ =	swait.ge [sflag:s29], $0x1  }
0xb4: {  	[sflag:s29] =	ssyncadd.s32 $0xFFFFFFFF  }
0xb5: {  	_ =	strace $0x90000048  }
0xb6: {  	_ =	sfence  }
0xb7: {  	s30 =	sld [smem:$0x0];
	_ =	sdelay $0x2  }
0xb8: {  	s31 =	sshll.u32 s1, $0xD;
	s1 =	sshrl.u32 s1, $0x2  }
0xb9: {  	s3 =	sand.u32 $0x4000, s31;
	s1 =	sadd.s32 s1, s30  }
0xba: {  	s0 =	sor.u32 s3, s0;
	s1 =	sshll.u32 s1, $0x11  }
0xbb: {  	s0 =	sor.u32 s1, s0  }
0xbc: {  	s0 =	sadd.s32 $0x8F2B, s0  }
0xbd: {  	[sflag:s0] =	ssyncadd.remote.s32 $0x1  }
0xbe: {  	_ =	sfence.sel $0xFFFF  }
0xbf: {  	[dreg:$0x0] =	wrdreg $0xFFFFFFFF;
	(pc) =	sbr.abs _section_cstart, $3  }
0xc0: {  	[dreg:$0x1] =	wrdreg $0xFFFFFFFF  }
0xc1: {  	_ =	task.clear_ibuf [dreg:s7], $0x2FFFF;
	_ =	strace $0x9FFFFFFF  }
0xc2: {  	(tm) =	ssettm $0x7FFFFFFF  }
0xc3: {  	_ =	shalt  }
tec
execute0_lowered:
.L_overlay_start_1:
0x0: {  	(tag) =	ssettag $0x1  }
0x1: {  	s0 =	srdreg.scid;
	s3 =	rddreg [dreg:$0x0]  }
0x2: {  	s1 =	stileid.u32;
	s4 =	rddreg [dreg:$0x1];
	s2 =	simm.s32 $0x0  }
0x3: {  	s8 =	simm.s32 $0x300;
	s25 =	simm.s32 $0x700;
	s10 =	simm.s32 $0x1  }
0x4: {  	s26 =	simm.s32 $0x100;
	s9 =	simm.s32 $0x80;
	s13 =	simm.s32 $0x180  }
0x5: {  	s15 =	simm.s32 $0x800;
	s16 =	simm.s32 $0x200;
	s19 =	simm.s32 $0x880  }
0x6: {  	s20 =	simm.s32 $0x280;
	s14 =	simm.s32 $0x380;
	s17 =	simm.s32 $0xA00  }
0x7: {  	s18 =	simm.s32 $0x400;
	s21 =	simm.s32 $0xA80;
	s22 =	simm.s32 $0x480  }
0x8: {  	s28 =	simm.s32 $0x580;
	p0 =	por $0x0, $0x0;
	s29 =	simm.s32 $0xC00  }
0x9: {  	s30 =	simm.s32 $0x40;
	s31 =	simm.s32 $0x600;
	s12 =	simm.s32 $0xC80  }
0xa: {  	s0 =	sand.u32 $0x1, s0;
	s1 =	sshll.u32 s1, $0x1;
	[smem:$0x7FF] =	sst s2  }
0xb: {  	s5 =	sadd.s32 $0x400, s3;
	s3 =	sadd.s32 $0x1E00, s3;
	s1 =	sor.u32 s0, s1  }
0xc: {  	_ =	strace $0x80000047;
	s0 =	ssub.s32 $0x2, s0;
	[dreg:$0x7] =	wrdreg s25  }
0xd: {  	[dreg:$0x8] =	wrdreg s26;
	s1 =	smul.u32 $0x640, s1;
	s23 =	sshrl.u32 s0, $0x1  }
0xe: {  	s25 =	simm.s32 $0x500;
	s26 =	simm.s32 $0xB80;
	s0 =	ssub.s32 s0, s23  }
0xf: {  	s23 =	simm.s32 $0x900;
	s1 =	sshrl.u32 s1, $0x3;
	s0 =	smax.u32 s0, $0x1  }
0x10: {  	s6 =	sadd.s32 s5, s1;
	s7 =	sadd.s32 $0x60, s1;
	p1 =	sne.s32 s0, $0x1  }
.Ltmp0:
0x11: {  	s1 =	sadd.s32 s3, s1;
	[dreg:$0x3] =	wrdreg s6;
	(pc) =	sbr.rel @!p1 .LBB2_1-.Ltmp0, $4  }
0x12: {  	s11 =	sadd.s32 $0xFFFFFFFF, s0;
	s5 =	sadd.s32 s5, s7;
	[dreg:$0x5] =	wrdreg s1  }
0x13: {  	s24 =	sadd.s32 s3, s7;
	s6 =	simm.s32 $0x680;
	[dreg:$0x4] =	wrdreg s5  }
0x14: {  	s3 =	simm.s32 $0x980;
	s7 =	simm.s32 $0x2;
	[dreg:$0x6] =	wrdreg s24  }
0x15: {  	s24 =	simm.s32 $0xB00;
	s5 =	simm.s32 $0x3;
	s0 =	rddreg [dreg:$0x3]  }
0x16: {  	[tilespmem:s2], [sflag:$0x1] =	stream.linear.gather [hbm4b:s0+s2], $0x300, $0x38;
	[tilespmem:$0xD00] =	vst v63  }
0x17: {  	s1 =	rddreg [dreg:$0x4]  }
0x18: {  	[tilespmem:s8], [sflag:$0x1] =	stream.linear.gather [hbm4b:s1+s2], $0x340, $0x38;
	[tilespmem:$0xD00] =	vst v63  }
0x19: {  	_ =	swait.ge [sflag:s10], $0x300  }
0x1a: {  	[sflag:s10] =	ssyncset.done $0x0  }
0x1b: {  	[sflag:s10] =	ssyncadd.s32 $0xFFFFFD00  }
0x1c: {  	[tilespmem:s6], [sflag:$0x2] =	stream.indirect.gather [hbm4b:s4+s9], $0x1, s2, s9, $0xb8;
	[tilespmem:$0xD00] =	vst v63  }
0x1d: {  	s0 =	rddreg [dreg:$0x7]  }
0x1e: {  	[tilespmem:s0], [sflag:$0x2] =	stream.indirect.gather [hbm4b:s4+s9], $0x1, s9, s9, $0xb8;
	[tilespmem:$0xD00] =	vst v63  }
0x1f: {  	s1 =	rddreg [dreg:$0x8];
	s0 =	simm.s32 $0x780  }
0x20: {  	[tilespmem:s0], [sflag:$0x2] =	stream.indirect.gather [hbm4b:s4+s9], $0x1, s1, s9, $0xb8;
	[tilespmem:$0xD00] =	vst v63  }
0x21: {  	_ = 	snop  }
0x22: {  	[tilespmem:s15], [sflag:$0x2] =	stream.indirect.gather [hbm4b:s4+s9], $0x1, s13, s9, $0xb8;
	[tilespmem:$0xD00] =	vst v63  }
0x23: {  	_ = 	snop  }
0x24: {  	[tilespmem:s19], [sflag:$0x2] =	stream.indirect.gather [hbm4b:s4+s9], $0x1, s16, s9, $0xb8;
	[tilespmem:$0xD00] =	vst v63  }
0x25: {  	_ = 	snop  }
0x26: {  	[tilespmem:s23], [sflag:$0x2] =	stream.indirect.gather [hbm4b:s4+s9], $0x1, s20, s9, $0xb8;
	[tilespmem:$0xD00] =	vst v63  }
0x27: {  	_ =	swait.ge [sflag:s10], $0x340  }
0x28: {  	[sflag:s10] =	ssyncset.done $0x0  }
0x29: {  	[sflag:s10] =	ssyncadd.s32 $0xFFFFFCC0  }
0x2a: {  	[tilespmem:s3], [sflag:$0x2] =	stream.indirect.gather [hbm4b:s4+s9], $0x1, s8, s9, $0xb8;
	[tilespmem:$0xD00] =	vst v63  }
0x2b: {  	_ = 	snop  }
0x2c: {  	[tilespmem:s17], [sflag:$0x2] =	stream.indirect.gather [hbm4b:s4+s9], $0x1, s14, s9, $0xb8;
	[tilespmem:$0xD00] =	vst v63  }
0x2d: {  	_ = 	snop  }
0x2e: {  	[tilespmem:s21], [sflag:$0x2] =	stream.indirect.gather [hbm4b:s4+s9], $0x1, s18, s9, $0xb8;
	[tilespmem:$0xD00] =	vst v63  }
0x2f: {  	_ = 	snop  }
0x30: {  	[tilespmem:s24], [sflag:$0x2] =	stream.indirect.gather [hbm4b:s4+s9], $0x1, s22, s9, $0xb8;
	[tilespmem:$0xD00] =	vst v63  }
0x31: {  	_ = 	snop  }
0x32: {  	[tilespmem:s26], [sflag:$0x2] =	stream.indirect.gather [hbm4b:s4+s9], $0x1, s25, s9, $0xb8;
	[tilespmem:$0xD00] =	vst v63  }
0x33: {  	_ = 	snop  }
0x34: {  	[tilespmem:s29], [sflag:$0x2] =	stream.indirect.gather [hbm4b:s4+s9], $0x1, s28, s9, $0xb8;
	[tilespmem:$0xD00] =	vst v63  }
0x35: {  	_ = 	snop  }
0x36: {  	[tilespmem:s12], [sflag:$0x2] =	stream.indirect.gather [hbm4b:s4+s30], $0x1, s31, s30, $0xb8;
	[tilespmem:$0xD00] =	vst v63  }
0x37: {  	_ =	swait.ge [sflag:s7], $0x80  }
0x38: {  	[sflag:s7] =	ssyncset.done $0x0  }
0x39: {  	[sflag:s7] =	ssyncadd.s32 $0xFFFFFF80  }
0x3a: {  	_ =	swait.ge [sflag:s7], $0x80  }
0x3b: {  	[sflag:s7] =	ssyncset.done $0x0  }
0x3c: {  	[sflag:s7] =	ssyncadd.s32 $0xFFFFFF80  }
0x3d: {  	_ =	swait.ge [sflag:s7], $0x80  }
0x3e: {  	[sflag:s7] =	ssyncset.done $0x0  }
0x3f: {  	[sflag:s7] =	ssyncadd.s32 $0xFFFFFF80  }
0x40: {  	_ =	swait.ge [sflag:s7], $0x80  }
0x41: {  	[sflag:s7] =	ssyncset.done $0x0  }
0x42: {  	[sflag:s7] =	ssyncadd.s32 $0xFFFFFF80  }
0x43: {  	_ =	swait.ge [sflag:s7], $0x80  }
0x44: {  	[sflag:s7] =	ssyncset.done $0x0  }
0x45: {  	[sflag:s7] =	ssyncadd.s32 $0xFFFFFF80  }
0x46: {  	_ =	swait.ge [sflag:s7], $0x80  }
0x47: {  	[sflag:s7] =	ssyncset.done $0x0  }
0x48: {  	s1 =	rddreg [dreg:$0x5];
	[sflag:s7] =	ssyncadd.s32 $0xFFFFFF80  }
0x49: {  	[hbm4b:s1+s2] =	stream.linear.scatter [tilespmem:s6], [sflag:$0x3], $0x300, $0x38;
	[tilespmem:$0xD00] =	vst v63  }
0x4a: {  	_ =	swait.ge [sflag:s7], $0x80  }
0x4b: {  	[sflag:s7] =	ssyncset.done $0x0  }
0x4c: {  	[sflag:s7] =	ssyncadd.s32 $0xFFFFFF80  }
0x4d: {  	_ =	swait.ge [sflag:s7], $0x80  }
0x4e: {  	[sflag:s7] =	ssyncset.done $0x0  }
0x4f: {  	[sflag:s7] =	ssyncadd.s32 $0xFFFFFF80  }
0x50: {  	_ =	swait.ge [sflag:s7], $0x80  }
0x51: {  	[sflag:s7] =	ssyncset.done $0x0  }
0x52: {  	[sflag:s7] =	ssyncadd.s32 $0xFFFFFF80  }
0x53: {  	_ =	swait.ge [sflag:s7], $0x80  }
0x54: {  	[sflag:s7] =	ssyncset.done $0x0  }
0x55: {  	[sflag:s7] =	ssyncadd.s32 $0xFFFFFF80  }
0x56: {  	_ =	swait.ge [sflag:s7], $0x80  }
0x57: {  	[sflag:s7] =	ssyncset.done $0x0  }
0x58: {  	[sflag:s7] =	ssyncadd.s32 $0xFFFFFF80  }
0x59: {  	_ =	swait.ge [sflag:s7], $0x80  }
0x5a: {  	[sflag:s7] =	ssyncset.done $0x0  }
0x5b: {  	[sflag:s7] =	ssyncadd.s32 $0xFFFFFF80  }
0x5c: {  	_ =	swait.ge [sflag:s7], $0x40  }
0x5d: {  	[sflag:s7] =	ssyncset.done $0x0  }
0x5e: {  	p1 =	sne.s32 s11, $0x1;
	s1 =	rddreg [dreg:$0x6];
	[sflag:s7] =	ssyncadd.s32 $0xFFFFFFC0  }
0x5f: {  	[hbm4b:s1+s2] =	stream.linear.scatter [tilespmem:s3], [sflag:$0x3], $0x340, $0x38;
	[tilespmem:$0xD00] =	vst v63  }
.Ltmp1:
0x60: {  	_ =	swait.ge [sflag:s5], $0x300;
	(pc) =	sbr.rel @!p1 .LBB2_3-.Ltmp1, $4  }
0x61: {  	[sflag:s5] =	ssyncset.done $0x0  }
0x62: {  	[sflag:s5] =	ssyncadd.s32 $0xFFFFFD00  }
0x63: {  	p0 =	por $0x1, $0x1;
	_ =	swait.ge [sflag:s5], $0x340  }
0x64: {  	s1 =	sadd.s32 $0xFFFFFFFF, s11;
	s0 =	rddreg [dreg:$0x3];
	[sflag:s5] =	ssyncset.done $0x0  }
.LBB2_4:
0x65: {  	[sflag:s5] =	ssyncadd.s32 $0xFFFFFCC0  }
0x66: {  	[tilespmem:s2], [sflag:$0x1] =	stream.linear.gather [hbm4b:s0+s2], $0x300, $0x38;
	[tilespmem:$0xD00] =	vst v63  }
0x67: {  	s11 =	rddreg [dreg:$0x4]  }
0x68: {  	[tilespmem:s8], [sflag:$0x1] =	stream.linear.gather [hbm4b:s11+s2], $0x340, $0x38;
	[tilespmem:$0xD00] =	vst v63  }
0x69: {  	_ =	swait.ge [sflag:s10], $0x300  }
0x6a: {  	[sflag:s10] =	ssyncset.done $0x0  }
0x6b: {  	[sflag:s10] =	ssyncadd.s32 $0xFFFFFD00  }
0x6c: {  	[tilespmem:s6], [sflag:$0x2] =	stream.indirect.gather [hbm4b:s4+s9], $0x1, s2, s9, $0xb8;
	[tilespmem:$0xD00] =	vst v63  }
0x6d: {  	s0 =	rddreg [dreg:$0x7]  }
0x6e: {  	[tilespmem:s0], [sflag:$0x2] =	stream.indirect.gather [hbm4b:s4+s9], $0x1, s9, s9, $0xb8;
	[tilespmem:$0xD00] =	vst v63  }
0x6f: {  	s11 =	rddreg [dreg:$0x8];
	s0 =	simm.s32 $0x780  }
0x70: {  	[tilespmem:s0], [sflag:$0x2] =	stream.indirect.gather [hbm4b:s4+s9], $0x1, s11, s9, $0xb8;
	[tilespmem:$0xD00] =	vst v63  }
0x71: {  	_ = 	snop  }
0x72: {  	[tilespmem:s15], [sflag:$0x2] =	stream.indirect.gather [hbm4b:s4+s9], $0x1, s13, s9, $0xb8;
	[tilespmem:$0xD00] =	vst v63  }
0x73: {  	_ = 	snop  }
0x74: {  	[tilespmem:s19], [sflag:$0x2] =	stream.indirect.gather [hbm4b:s4+s9], $0x1, s16, s9, $0xb8;
	[tilespmem:$0xD00] =	vst v63  }
0x75: {  	_ = 	snop  }
0x76: {  	[tilespmem:s23], [sflag:$0x2] =	stream.indirect.gather [hbm4b:s4+s9], $0x1, s20, s9, $0xb8;
	[tilespmem:$0xD00] =	vst v63  }
0x77: {  	_ =	swait.ge [sflag:s10], $0x340  }
0x78: {  	[sflag:s10] =	ssyncset.done $0x0  }
0x79: {  	[sflag:s10] =	ssyncadd.s32 $0xFFFFFCC0  }
0x7a: {  	[tilespmem:s3], [sflag:$0x2] =	stream.indirect.gather [hbm4b:s4+s9], $0x1, s8, s9, $0xb8;
	[tilespmem:$0xD00] =	vst v63  }
0x7b: {  	_ = 	snop  }
0x7c: {  	[tilespmem:s17], [sflag:$0x2] =	stream.indirect.gather [hbm4b:s4+s9], $0x1, s14, s9, $0xb8;
	[tilespmem:$0xD00] =	vst v63  }
0x7d: {  	_ = 	snop  }
0x7e: {  	[tilespmem:s21], [sflag:$0x2] =	stream.indirect.gather [hbm4b:s4+s9], $0x1, s18, s9, $0xb8;
	[tilespmem:$0xD00] =	vst v63  }
0x7f: {  	_ = 	snop  }
0x80: {  	[tilespmem:s24], [sflag:$0x2] =	stream.indirect.gather [hbm4b:s4+s9], $0x1, s22, s9, $0xb8;
	[tilespmem:$0xD00] =	vst v63  }
0x81: {  	_ = 	snop  }
0x82: {  	[tilespmem:s26], [sflag:$0x2] =	stream.indirect.gather [hbm4b:s4+s9], $0x1, s25, s9, $0xb8;
	[tilespmem:$0xD00] =	vst v63  }
0x83: {  	_ = 	snop  }
0x84: {  	[tilespmem:s29], [sflag:$0x2] =	stream.indirect.gather [hbm4b:s4+s9], $0x1, s28, s9, $0xb8;
	[tilespmem:$0xD00] =	vst v63  }
0x85: {  	_ = 	snop  }
0x86: {  	[tilespmem:s12], [sflag:$0x2] =	stream.indirect.gather [hbm4b:s4+s30], $0x1, s31, s30, $0xb8;
	[tilespmem:$0xD00] =	vst v63  }
0x87: {  	_ =	swait.ge [sflag:s7], $0x80  }
0x88: {  	[sflag:s7] =	ssyncset.done $0x0  }
0x89: {  	[sflag:s7] =	ssyncadd.s32 $0xFFFFFF80  }
0x8a: {  	_ =	swait.ge [sflag:s7], $0x80  }
0x8b: {  	[sflag:s7] =	ssyncset.done $0x0  }
0x8c: {  	[sflag:s7] =	ssyncadd.s32 $0xFFFFFF80  }
0x8d: {  	_ =	swait.ge [sflag:s7], $0x80  }
0x8e: {  	[sflag:s7] =	ssyncset.done $0x0  }
0x8f: {  	[sflag:s7] =	ssyncadd.s32 $0xFFFFFF80  }
0x90: {  	_ =	swait.ge [sflag:s7], $0x80  }
0x91: {  	[sflag:s7] =	ssyncset.done $0x0  }
0x92: {  	[sflag:s7] =	ssyncadd.s32 $0xFFFFFF80  }
0x93: {  	_ =	swait.ge [sflag:s7], $0x80  }
0x94: {  	[sflag:s7] =	ssyncset.done $0x0  }
0x95: {  	[sflag:s7] =	ssyncadd.s32 $0xFFFFFF80  }
0x96: {  	_ =	swait.ge [sflag:s7], $0x80  }
0x97: {  	[sflag:s7] =	ssyncset.done $0x0  }
0x98: {  	s11 =	rddreg [dreg:$0x5];
	[sflag:s7] =	ssyncadd.s32 $0xFFFFFF80  }
0x99: {  	[hbm4b:s11+s2] =	stream.linear.scatter [tilespmem:s6], [sflag:$0x3], $0x300, $0x38;
	[tilespmem:$0xD00] =	vst v63  }
0x9a: {  	_ =	swait.ge [sflag:s7], $0x80  }
0x9b: {  	[sflag:s7] =	ssyncset.done $0x0  }
0x9c: {  	[sflag:s7] =	ssyncadd.s32 $0xFFFFFF80  }
0x9d: {  	_ =	swait.ge [sflag:s7], $0x80  }
0x9e: {  	[sflag:s7] =	ssyncset.done $0x0  }
0x9f: {  	[sflag:s7] =	ssyncadd.s32 $0xFFFFFF80  }
0xa0: {  	_ =	swait.ge [sflag:s7], $0x80  }
0xa1: {  	[sflag:s7] =	ssyncset.done $0x0  }
0xa2: {  	[sflag:s7] =	ssyncadd.s32 $0xFFFFFF80  }
0xa3: {  	_ =	swait.ge [sflag:s7], $0x80  }
0xa4: {  	[sflag:s7] =	ssyncset.done $0x0  }
0xa5: {  	[sflag:s7] =	ssyncadd.s32 $0xFFFFFF80  }
0xa6: {  	_ =	swait.ge [sflag:s7], $0x80  }
0xa7: {  	[sflag:s7] =	ssyncset.done $0x0  }
0xa8: {  	[sflag:s7] =	ssyncadd.s32 $0xFFFFFF80  }
0xa9: {  	_ =	swait.ge [sflag:s7], $0x80  }
0xaa: {  	[sflag:s7] =	ssyncset.done $0x0  }
0xab: {  	[sflag:s7] =	ssyncadd.s32 $0xFFFFFF80  }
0xac: {  	_ =	swait.ge [sflag:s7], $0x40  }
0xad: {  	[sflag:s7] =	ssyncset.done $0x0  }
0xae: {  	p1 =	sne.s32 s1, $0x1;
	s11 =	rddreg [dreg:$0x6];
	[sflag:s7] =	ssyncadd.s32 $0xFFFFFFC0  }
0xaf: {  	[hbm4b:s11+s2] =	stream.linear.scatter [tilespmem:s3], [sflag:$0x3], $0x340, $0x38;
	[tilespmem:$0xD00] =	vst v63  }
.Ltmp2:
0xb0: {  	_ =	swait.ge [sflag:s5], $0x300;
	(pc) =	sbr.rel @p1 .LBB2_4-.Ltmp2, $4  }
0xb1: {  	[sflag:s5] =	ssyncset.done $0x0  }
0xb2: {  	[sflag:s5] =	ssyncadd.s32 $0xFFFFFD00  }
0xb3: {  	_ =	swait.ge [sflag:s5], $0x340  }
0xb4: {  	s1 =	sadd.s32 $0xFFFFFFFF, s1;
	s0 =	rddreg [dreg:$0x3];
	[sflag:s5] =	ssyncset.done $0x0  }
0xb5: {  	s11 =	simm.s32 $0xC80;
	s31 =	simm.s32 $0x600  }
0xb6: {  	s30 =	simm.s32 $0x40;
	s29 =	simm.s32 $0xC00;
	s28 =	simm.s32 $0x580  }
0xb7: {  	s26 =	simm.s32 $0xB80;
	s25 =	simm.s32 $0x500;
	s24 =	simm.s32 $0xB00  }
0xb8: {  	s23 =	simm.s32 $0x900;
	s22 =	simm.s32 $0x480;
	s21 =	simm.s32 $0xA80  }
0xb9: {  	s20 =	simm.s32 $0x280;
	s19 =	simm.s32 $0x880;
	s18 =	simm.s32 $0x400  }
0xba: {  	s17 =	simm.s32 $0xA00;
	s16 =	simm.s32 $0x200;
	s15 =	simm.s32 $0x800  }
0xbb: {  	s14 =	simm.s32 $0x380;
	s13 =	simm.s32 $0x180;
	s12 =	simm.s32 $0x780  }
.LBB2_6:
0xbc: {  	[sflag:s5] =	ssyncadd.s32 @p0 $0xFFFFFCC0  }
0xbd: {  	[tilespmem:s2], [sflag:$0x1] =	stream.linear.gather [hbm4b:s0+s2], $0x300, $0x38;
	[tilespmem:$0xD00] =	vst v63  }
0xbe: {  	s1 =	rddreg [dreg:$0x4]  }
0xbf: {  	[tilespmem:s8], [sflag:$0x1] =	stream.linear.gather [hbm4b:s1+s2], $0x340, $0x38;
	[tilespmem:$0xD00] =	vst v63  }
0xc0: {  	_ =	swait.ge [sflag:s10], $0x300  }
0xc1: {  	[sflag:s10] =	ssyncset.done $0x0  }
0xc2: {  	[sflag:s10] =	ssyncadd.s32 $0xFFFFFD00  }
0xc3: {  	[tilespmem:s6], [sflag:$0x2] =	stream.indirect.gather [hbm4b:s4+s9], $0x1, s2, s9, $0xb8;
	[tilespmem:$0xD00] =	vst v63  }
0xc4: {  	s0 =	rddreg [dreg:$0x7]  }
0xc5: {  	[tilespmem:s0], [sflag:$0x2] =	stream.indirect.gather [hbm4b:s4+s9], $0x1, s9, s9, $0xb8;
	[tilespmem:$0xD00] =	vst v63  }
0xc6: {  	s1 =	rddreg [dreg:$0x8]  }
0xc7: {  	[tilespmem:s12], [sflag:$0x2] =	stream.indirect.gather [hbm4b:s4+s9], $0x1, s1, s9, $0xb8;
	[tilespmem:$0xD00] =	vst v63  }
0xc8: {  	_ = 	snop  }
0xc9: {  	[tilespmem:s15], [sflag:$0x2] =	stream.indirect.gather [hbm4b:s4+s9], $0x1, s13, s9, $0xb8;
	[tilespmem:$0xD00] =	vst v63  }
0xca: {  	_ = 	snop  }
0xcb: {  	[tilespmem:s19], [sflag:$0x2] =	stream.indirect.gather [hbm4b:s4+s9], $0x1, s16, s9, $0xb8;
	[tilespmem:$0xD00] =	vst v63  }
0xcc: {  	_ = 	snop  }
0xcd: {  	[tilespmem:s23], [sflag:$0x2] =	stream.indirect.gather [hbm4b:s4+s9], $0x1, s20, s9, $0xb8;
	[tilespmem:$0xD00] =	vst v63  }
0xce: {  	_ =	swait.ge [sflag:s10], $0x340  }
0xcf: {  	[sflag:s10] =	ssyncset.done $0x0  }
0xd0: {  	[sflag:s10] =	ssyncadd.s32 $0xFFFFFCC0  }
0xd1: {  	[tilespmem:s3], [sflag:$0x2] =	stream.indirect.gather [hbm4b:s4+s9], $0x1, s8, s9, $0xb8;
	[tilespmem:$0xD00] =	vst v63  }
0xd2: {  	_ = 	snop  }
0xd3: {  	[tilespmem:s17], [sflag:$0x2] =	stream.indirect.gather [hbm4b:s4+s9], $0x1, s14, s9, $0xb8;
	[tilespmem:$0xD00] =	vst v63  }
0xd4: {  	_ = 	snop  }
0xd5: {  	[tilespmem:s21], [sflag:$0x2] =	stream.indirect.gather [hbm4b:s4+s9], $0x1, s18, s9, $0xb8;
	[tilespmem:$0xD00] =	vst v63  }
0xd6: {  	_ = 	snop  }
0xd7: {  	[tilespmem:s24], [sflag:$0x2] =	stream.indirect.gather [hbm4b:s4+s9], $0x1, s22, s9, $0xb8;
	[tilespmem:$0xD00] =	vst v63  }
0xd8: {  	_ = 	snop  }
0xd9: {  	[tilespmem:s26], [sflag:$0x2] =	stream.indirect.gather [hbm4b:s4+s9], $0x1, s25, s9, $0xb8;
	[tilespmem:$0xD00] =	vst v63  }
0xda: {  	_ = 	snop  }
0xdb: {  	[tilespmem:s29], [sflag:$0x2] =	stream.indirect.gather [hbm4b:s4+s9], $0x1, s28, s9, $0xb8;
	[tilespmem:$0xD00] =	vst v63  }
0xdc: {  	_ = 	snop  }
0xdd: {  	[tilespmem:s11], [sflag:$0x2] =	stream.indirect.gather [hbm4b:s4+s30], $0x1, s31, s30, $0xb8;
	[tilespmem:$0xD00] =	vst v63  }
0xde: {  	_ =	swait.ge [sflag:s7], $0x80  }
0xdf: {  	[sflag:s7] =	ssyncset.done $0x0  }
0xe0: {  	[sflag:s7] =	ssyncadd.s32 $0xFFFFFF80  }
0xe1: {  	_ =	swait.ge [sflag:s7], $0x80  }
0xe2: {  	[sflag:s7] =	ssyncset.done $0x0  }
0xe3: {  	[sflag:s7] =	ssyncadd.s32 $0xFFFFFF80  }
0xe4: {  	_ =	swait.ge [sflag:s7], $0x80  }
0xe5: {  	[sflag:s7] =	ssyncset.done $0x0  }
0xe6: {  	[sflag:s7] =	ssyncadd.s32 $0xFFFFFF80  }
0xe7: {  	_ =	swait.ge [sflag:s7], $0x80  }
0xe8: {  	[sflag:s7] =	ssyncset.done $0x0  }
0xe9: {  	[sflag:s7] =	ssyncadd.s32 $0xFFFFFF80  }
0xea: {  	_ =	swait.ge [sflag:s7], $0x80  }
0xeb: {  	[sflag:s7] =	ssyncset.done $0x0  }
0xec: {  	[sflag:s7] =	ssyncadd.s32 $0xFFFFFF80  }
0xed: {  	_ =	swait.ge [sflag:s7], $0x80  }
0xee: {  	[sflag:s7] =	ssyncset.done $0x0  }
0xef: {  	s29 =	rddreg [dreg:$0x5];
	[sflag:s7] =	ssyncadd.s32 $0xFFFFFF80  }
0xf0: {  	[hbm4b:s29+s2] =	stream.linear.scatter [tilespmem:s6], [sflag:$0x3], $0x300, $0x38;
	[tilespmem:$0xD00] =	vst v63  }
0xf1: {  	_ =	swait.ge [sflag:s7], $0x80  }
0xf2: {  	[sflag:s7] =	ssyncset.done $0x0  }
0xf3: {  	[sflag:s7] =	ssyncadd.s32 $0xFFFFFF80  }
0xf4: {  	_ =	swait.ge [sflag:s7], $0x80  }
0xf5: {  	[sflag:s7] =	ssyncset.done $0x0  }
0xf6: {  	[sflag:s7] =	ssyncadd.s32 $0xFFFFFF80  }
0xf7: {  	_ =	swait.ge [sflag:s7], $0x80  }
0xf8: {  	[sflag:s7] =	ssyncset.done $0x0  }
0xf9: {  	[sflag:s7] =	ssyncadd.s32 $0xFFFFFF80  }
0xfa: {  	_ =	swait.ge [sflag:s7], $0x80  }
0xfb: {  	[sflag:s7] =	ssyncset.done $0x0  }
0xfc: {  	[sflag:s7] =	ssyncadd.s32 $0xFFFFFF80  }
0xfd: {  	_ =	swait.ge [sflag:s7], $0x80  }
0xfe: {  	[sflag:s7] =	ssyncset.done $0x0  }
0xff: {  	[sflag:s7] =	ssyncadd.s32 $0xFFFFFF80  }
0x100: {  	_ =	swait.ge [sflag:s7], $0x80  }
0x101: {  	[sflag:s7] =	ssyncset.done $0x0  }
0x102: {  	[sflag:s7] =	ssyncadd.s32 $0xFFFFFF80  }
0x103: {  	_ =	swait.ge [sflag:s7], $0x40  }
0x104: {  	[sflag:s7] =	ssyncset.done $0x0  }
0x105: {  	s30 =	rddreg [dreg:$0x6];
	[sflag:s7] =	ssyncadd.s32 $0xFFFFFFC0  }
0x106: {  	[hbm4b:s30+s2] =	stream.linear.scatter [tilespmem:s3], [sflag:$0x3], $0x340, $0x38;
	[tilespmem:$0xD00] =	vst v63  }
0x107: {  	_ =	swait.ge [sflag:s5], $0x300  }
0x108: {  	[sflag:s5] =	ssyncset.done $0x0  }
0x109: {  	[sflag:s5] =	ssyncadd.s32 $0xFFFFFD00  }
0x10a: {  	_ =	swait.ge [sflag:s5], $0x340  }
0x10b: {  	[sflag:s5] =	ssyncset.done $0x0  }
0x10c: {  	[sflag:s5] =	ssyncadd.s32 $0xFFFFFCC0  }
0x10d: {  	_ =	sfence.sel $0x180000  }
0x10e: {  	[bflag:$0x0] =	sbarrier.arrive $0xFFFF  }
0x10f: {  	_ =	strace $0x90000047  }
0x110: {  	s31 =	stileid.u32;
	[bflag:$0x2] =	sbarrier.arrive $0xFFFF  }
0x111: {  	p0 =	sne.s32 s31, $0x0;
	s0 =	rddreg [dreg:$0x2]  }
0x112: {  	s0 =	sadd.s32 @!p0 $0x100000, s0  }
0x113: {  	[sflag:s0] =	ssyncadd.tile.s32 @!p0 $0x1;
	_ =	shalt  }
.LBB2_1:
0x114: {  	s11 =	simm.s32 $0xC80;
	s31 =	simm.s32 $0x600;
	s30 =	simm.s32 $0x40  }
0x115: {  	s29 =	simm.s32 $0xC00;
	s28 =	simm.s32 $0x580;
	s26 =	simm.s32 $0xB80  }
.Ltmp3:
0x116: {  	s25 =	simm.s32 $0x500;
	s24 =	simm.s32 $0xB00;
	(pc) =	sbr.rel .LBB2_6-.Ltmp3, $4  }
0x117: {  	s23 =	simm.s32 $0x900;
	s22 =	simm.s32 $0x480;
	s21 =	simm.s32 $0xA80  }
0x118: {  	s20 =	simm.s32 $0x280;
	s19 =	simm.s32 $0x880;
	s18 =	simm.s32 $0x400  }
0x119: {  	s17 =	simm.s32 $0xA00;
	s16 =	simm.s32 $0x200;
	s15 =	simm.s32 $0x800  }
0x11a: {  	s14 =	simm.s32 $0x380;
	s13 =	simm.s32 $0x180;
	s12 =	simm.s32 $0x780  }
.LBB2_3:
0x11b: {  	s11 =	simm.s32 $0xC80;
	s31 =	simm.s32 $0x600;
	s30 =	simm.s32 $0x40  }
0x11c: {  	s29 =	simm.s32 $0xC00;
	s28 =	simm.s32 $0x580;
	s26 =	simm.s32 $0xB80  }
.Ltmp4:
0x11d: {  	s25 =	simm.s32 $0x500;
	s24 =	simm.s32 $0xB00;
	(pc) =	sbr.rel .LBB2_6-.Ltmp4, $4  }
0x11e: {  	s23 =	simm.s32 $0x900;
	s22 =	simm.s32 $0x480;
	s21 =	simm.s32 $0xA80  }
0x11f: {  	s20 =	simm.s32 $0x280;
	s19 =	simm.s32 $0x880;
	s18 =	simm.s32 $0x400  }
0x120: {  	s17 =	simm.s32 $0xA00;
	s16 =	simm.s32 $0x200;
	s15 =	simm.s32 $0x800  }
0x121: {  	s14 =	simm.s32 $0x380;
	s13 =	simm.s32 $0x180;
	s12 =	simm.s32 $0x780  }
.Lfunc_end2:
_tile_overlayer_lowered:
.L_overlay_start_2:
0x122: {  	(tag) =	ssettag $0x2  }
0x123: {  	s0 =	rddreg [dreg:$0x0];
	s2 =	stileid.u32  }
0x124: {  	s1 =	rddreg [dreg:$0x1];
	p0 =	sne.s32 s2, $0x0  }
0x125: {  	s3 =	rddreg [dreg:$0x2];
	[bflag:$0x3] =	sbarrier.arrive $0xFFFF;
	s2 =	simm.s32 @!p0 $0x1C04  }
0x126: {  	[timem:s3], [sflag:s2] =	dma.local @!p0 [hbm:s0], s1  }
0x127: {  	s0 =	simm.s32 @!p0 $0x4  }
0x128: {  	_ =	swait.ge @!p0 [sflag:s0], s1  }
0x129: {  	s1 =	ssub.s32 @!p0 $0x0, s1;
	[sflag:s0] =	ssyncset.done @!p0 $0x0  }
0x12a: {  	[sflag:s0] =	ssyncadd.s32 @!p0 s1  }
0x12b: {  	[bflag:$0x3] =	sbarrier.arrive $0xFFFF  }
0x12c: {  	_ =	shalt  }

</sc_bundles>
